<compile_context>
chip_gen: v7x
topology: tpu7x:2x2x1
jax: 0.10.2.dev20260603
libtpu: 0.0.44.dev20260713+nightly
codegen_flags: <defaults>
</compile_context>

<pallas_src>
import jax
import jax.numpy as jnp
from jax.experimental import pallas as pl
from jax.experimental.pallas import tpu as pltpu

N = 4096
IC = 128
F = 64

RB = 512
CB = 512


def _xdw_kernel(x_ref, w1_ref, b1_ref, alpha_ref, a_ref, res_ref):
    xdw = (
        jnp.dot(x_ref[...], w1_ref[...], preferred_element_type=jnp.float32)
        + b1_ref[...]
    )
    al = alpha_ref[0, 0]
    a_ref[...] = al * xdw
    res_ref[...] = (1.0 - al) * xdw


def _main_kernel(
    e0_ref,
    e1_ref,
    a_ref,
    res_ref,
    w2a_ref,
    w2b_ref,
    b2_ref,
    bias_ref,
    out_e_ref,
    out_n_ref,
    acc1_ref,
    acc2_ref,
):
    j = pl.program_id(1)
    nj = pl.num_programs(1)
    e0 = e0_ref[...]
    e1 = e1_ref[...]

    lane = jax.lax.broadcasted_iota(jnp.int32, (RB, 128), 1)
    even = (lane % 2) == 0
    for v in range(2 * CB // 128):
        p, h = divmod(v, 2)
        idx = 64 * h + lane // 2
        src0 = e0[:, 128 * p : 128 * (p + 1)]
        src1 = e1[:, 128 * p : 128 * (p + 1)]
        ga = jnp.take_along_axis(src0, idx, axis=1)
        gb = jnp.take_along_axis(src1, idx, axis=1)
        out_e_ref[:, 128 * v : 128 * (v + 1)] = jnp.where(even, ga, gb)

    @pl.when(j == 0)
    def _():
        acc1_ref[...] = jnp.zeros_like(acc1_ref)
        acc2_ref[...] = jnp.zeros_like(acc2_ref)

    a = a_ref[...]
    acc1_ref[...] += jnp.dot(e0, a, preferred_element_type=jnp.float32)
    acc2_ref[...] += jnp.dot(e1, a, preferred_element_type=jnp.float32)

    @pl.when(j == nj - 1)
    def _():
        resid = res_ref[...]
        s1 = acc1_ref[...] + resid
        s2 = acc2_ref[...] + resid
        h2 = (
            jnp.dot(s1, w2a_ref[...], preferred_element_type=jnp.float32)
            + jnp.dot(s2, w2b_ref[...], preferred_element_type=jnp.float32)
            + b2_ref[...]
            + bias_ref[...]
        )
        out_n_ref[...] = jnp.maximum(h2, 0.0)


def kernel(X, E0, E1, alpha, W1, b1, W2, b2, bias):
    alpha2 = jnp.asarray(alpha, jnp.float32).reshape(1, 1)
    a, res = pl.pallas_call(
        _xdw_kernel,
        out_shape=[
            jax.ShapeDtypeStruct((N, F), jnp.float32),
            jax.ShapeDtypeStruct((N, F), jnp.float32),
        ],
    )(X, W1, b1.reshape(1, F), alpha2)

    grid = (N // RB, N // CB)
    out_e_flat, out_n = pl.pallas_call(
        _main_kernel,
        grid=grid,
        in_specs=[
            pl.BlockSpec((RB, CB), lambda i, j: (i, j)),
            pl.BlockSpec((RB, CB), lambda i, j: (i, j)),
            pl.BlockSpec((CB, F), lambda i, j: (j, 0)),
            pl.BlockSpec((RB, F), lambda i, j: (i, 0)),
            pl.BlockSpec((F, F), lambda i, j: (0, 0)),
            pl.BlockSpec((F, F), lambda i, j: (0, 0)),
            pl.BlockSpec((1, F), lambda i, j: (0, 0)),
            pl.BlockSpec((1, F), lambda i, j: (0, 0)),
        ],
        out_specs=[
            pl.BlockSpec((RB, 2 * CB), lambda i, j: (i, j)),
            pl.BlockSpec((RB, F), lambda i, j: (i, 0)),
        ],
        out_shape=[
            jax.ShapeDtypeStruct((N, 2 * N), jnp.float32),
            jax.ShapeDtypeStruct((N, F), jnp.float32),
        ],
        scratch_shapes=[
            pltpu.VMEM((RB, F), jnp.float32),
            pltpu.VMEM((RB, F), jnp.float32),
        ],
    )(E0, E1, a, res, W2[:F], W2[F:], b2.reshape(1, F), bias.reshape(1, F))

    out_E = out_e_flat.reshape(N, N, 2)
    return (out_n, out_E)

# --- scband reference (transcript-rebuilt; emitter-appended) ---
"""Pipeline reference for scband-graph-conv-83030307766284 (READ-ONLY COPY).

The authoritative reference and input builder live on the scoring server;
editing this copy changes nothing except your own understanding.
"""

import jax, jax.numpy as jnp
import numpy as np

N = 4096
IC = 128
F = 64

def setup_inputs(seed: int = 0) -> dict:
    key = jax.random.key(seed)
    ks = jax.random.split(key, 8)
    X = jax.random.normal(ks[0], (N, IC), dtype=jnp.float32)
    E0 = jax.random.uniform(ks[1], (N, N), dtype=jnp.float32)
    E1 = jax.random.uniform(ks[2], (N, N), dtype=jnp.float32)
    alpha = jax.random.uniform(ks[3], (), dtype=jnp.float32)
    # learned parameters per init_kwargs (filters=64)
    W1 = jax.random.normal(ks[4], (IC, F), dtype=jnp.float32) * (1.0 / np.sqrt(IC))  # embedding_layer
    b1 = jnp.zeros((F,), dtype=jnp.float32)
    W2 = jax.random.normal(ks[5], (2 * F, F), dtype=jnp.float32) * (1.0 / np.sqrt(2 * F))  # embedding_layer2 (after 'concat' multi-edge aggregation)
    b2 = jnp.zeros((F,), dtype=jnp.float32)
    bias = jnp.zeros((F,), dtype=jnp.float32)  # BiasAdd layer, axis=-1 (channels_last)
    return {"X": X, "E0": E0, "E1": E1, "alpha": alpha, "W1": W1, "b1": b1, "W2": W2, "b2": b2, "bias": bias}

def reference(X, E0, E1, alpha, W1, b1, W2, b2, bias):
    # Inference mode: all dropout layers are identity (training=False).
    XD = X  # node_dropout -> identity
    XDW = XD @ W1 + b1  # embedding_layer (Dense(filters))
    XDWD = XDW  # embeded_node_dropout -> identity
    ED0, ED1 = E0, E1  # edge_dropout -> identity
    # node_aggregate: dense adjacency aggregation per edge-type sheet,
    # with alpha mixing between aggregated and self features.
    sheet1 = ED0 @ XDWD
    sheet2 = ED1 @ XDWD
    sheet1 = alpha * sheet1 + (1.0 - alpha) * XDW
    sheet2 = alpha * sheet2 + (1.0 - alpha) * XDW
    # multi_edge_aggregation == 'concat'
    H = jnp.concatenate([sheet1, sheet2], axis=-1)
    H2 = H @ W2 + b2  # embedding_layer2
    out_nodes = jax.nn.relu(H2 + bias)  # BiasAdd + activation
    out_E = jnp.stack([E0, E1], axis=2)  # edges passed through, stacked
    return (out_nodes, out_E)

if __name__ == "__main__":
    import jax
    _d = setup_inputs()
    print(jax.jit(kernel)(*tuple(_d.values())))

</pallas_src>

<mosaic_0001>
module attributes {stable_mosaic.version = 14 : i64} {
  func.func @_xdw_kernel(%arg0: memref<4096x128xf32, #tpu.memory_space<vmem>>, %arg1: memref<128x64xf32, #tpu.memory_space<vmem>>, %arg2: memref<1x64xf32, #tpu.memory_space<vmem>>, %arg3: memref<1x1xf32, #tpu.memory_space<vmem>>, %arg4: memref<4096x64xf32, #tpu.memory_space<vmem>>, %arg5: memref<4096x64xf32, #tpu.memory_space<vmem>>) attributes {dimension_semantics = [], scalar_prefetch = 0 : i64, scratch_operands = 0 : i64, tpu.core_type = #tpu.core_type<tc>} {
    %get3A = arith.constant 0 : index
    %get3A_0 = arith.constant 0 : index
    %get3A_1 = vector.load %arg0[%get3A, %get3A_0] : memref<4096x128xf32, #tpu.memory_space<vmem>>, vector<4096x128xf32>
    %get3A_2 = arith.constant 0 : index
    %get3A_3 = arith.constant 0 : index
    %get3A_4 = vector.load %arg1[%get3A_2, %get3A_3] : memref<128x64xf32, #tpu.memory_space<vmem>>, vector<128x64xf32>
    %dot_general3A = arith.constant dense<0.000000e+00> : vector<4096x64xf32>
    %dot_general3A_5 = tpu.matmul %get3A_1, %get3A_4, %dot_general3A {dimension_numbers = #tpu.dot_dimension_numbers<[1], [0], [0], [1], [0, 0, 1, 1], [], []>, transpose_lhs_hint = false} : vector<4096x128xf32>, vector<128x64xf32>, vector<4096x64xf32> -> vector<4096x64xf32>
    %get3A_6 = arith.constant 0 : index
    %get3A_7 = arith.constant 0 : index
    %get3A_8 = vector.load %arg2[%get3A_6, %get3A_7] : memref<1x64xf32, #tpu.memory_space<vmem>>, vector<1x64xf32>
    %add3A = vector.broadcast %get3A_8 : vector<1x64xf32> to vector<4096x64xf32>
    %add3A_9 = arith.addf %dot_general3A_5, %add3A : vector<4096x64xf32>
    %get3A_10 = arith.constant 0 : index
    %get3A_11 = arith.constant 0 : index
    %get3A_12 = vector.load %arg3[%get3A_10, %get3A_11] : memref<1x1xf32, #tpu.memory_space<vmem>>, vector<1x1xf32>
    %get3A_13 = vector.extract %get3A_12[0, 0] : f32 from vector<1x1xf32>
    %mul3A = vector.broadcast %get3A_13 : f32 to vector<4096x64xf32>
    %mul3A_14 = arith.mulf %mul3A, %add3A_9 : vector<4096x64xf32>
    %swap3A = arith.constant 0 : index
    %swap3A_15 = arith.constant 0 : index
    %swap3A_16 = vector.load %arg4[%swap3A, %swap3A_15] : memref<4096x64xf32, #tpu.memory_space<vmem>>, vector<4096x64xf32>
    tpu.vector_store %arg4[%swap3A, %swap3A_15], %mul3A_14 {strides = array<i32>} : memref<4096x64xf32, #tpu.memory_space<vmem>>, vector<4096x64xf32>,
    %sub3A = arith.constant 1.000000e+00 : f32
    %sub3A_17 = arith.subf %sub3A, %get3A_13 : f32
    %mul3A_18 = vector.broadcast %sub3A_17 : f32 to vector<4096x64xf32>
    %mul3A_19 = arith.mulf %mul3A_18, %add3A_9 : vector<4096x64xf32>
    %swap3A_20 = arith.constant 0 : index
    %swap3A_21 = arith.constant 0 : index
    %swap3A_22 = vector.load %arg5[%swap3A_20, %swap3A_21] : memref<4096x64xf32, #tpu.memory_space<vmem>>, vector<4096x64xf32>
    tpu.vector_store %arg5[%swap3A_20, %swap3A_21], %mul3A_19 {strides = array<i32>} : memref<4096x64xf32, #tpu.memory_space<vmem>>, vector<4096x64xf32>,
    return
  }
}

module attributes {stable_mosaic.version = 14 : i64} {
  func.func @_main_kernel(%arg0: i32, %arg1: i32, %arg2: memref<512x512xf32, #tpu.memory_space<vmem>>, %arg3: memref<512x512xf32, #tpu.memory_space<vmem>>, %arg4: memref<512x64xf32, #tpu.memory_space<vmem>>, %arg5: memref<512x64xf32, #tpu.memory_space<vmem>>, %arg6: memref<64x64xf32, #tpu.memory_space<vmem>>, %arg7: memref<64x64xf32, #tpu.memory_space<vmem>>, %arg8: memref<1x64xf32, #tpu.memory_space<vmem>>, %arg9: memref<1x64xf32, #tpu.memory_space<vmem>>, %arg10: memref<512x1024xf32, #tpu.memory_space<vmem>>, %arg11: memref<512x64xf32, #tpu.memory_space<vmem>>, %arg12: memref<512x64xf32, #tpu.memory_space<vmem>>, %arg13: memref<512x64xf32, #tpu.memory_space<vmem>>) attributes {dimension_semantics = [#tpu.dimension_semantics<arbitrary>, #tpu.dimension_semantics<arbitrary>], iteration_bounds = array<i64: 8, 8>, scalar_prefetch = 0 : i64, scratch_operands = 2 : i64, tpu.core_type = #tpu.core_type<tc>, window_params = [{transform_indices = @transform_0, window_bounds = array<i64: 512, 512>}, {transform_indices = @transform_1, window_bounds = array<i64: 512, 512>}, {transform_indices = @transform_2, window_bounds = array<i64: 512, 64>}, {transform_indices = @transform_3, window_bounds = array<i64: 512, 64>}, {pipeline_mode = #tpu.pipeline_mode<synchronous>, transform_indices = @transform_4, window_bounds = array<i64: 64, 64>}, {pipeline_mode = #tpu.pipeline_mode<synchronous>, transform_indices = @transform_5, window_bounds = array<i64: 64, 64>}, {pipeline_mode = #tpu.pipeline_mode<synchronous>, transform_indices = @transform_6, window_bounds = array<i64: 1, 64>}, {pipeline_mode = #tpu.pipeline_mode<synchronous>, transform_indices = @transform_7, window_bounds = array<i64: 1, 64>}, {transform_indices = @transform_8, window_bounds = array<i64: 512, 1024>}, {transform_indices = @transform_9, window_bounds = array<i64: 512, 64>}]} {
    %get3A = arith.constant 0 : index
    %get3A_0 = arith.constant 0 : index
    %get3A_1 = vector.load %arg2[%get3A, %get3A_0] : memref<512x512xf32, #tpu.memory_space<vmem>>, vector<512x512xf32>
    %get3A_2 = arith.constant 0 : index
    %get3A_3 = arith.constant 0 : index
    %get3A_4 = vector.load %arg3[%get3A_2, %get3A_3] : memref<512x512xf32, #tpu.memory_space<vmem>>, vector<512x512xf32>
    %iota3A = tpu.iota {dimensions = array<i32: 1>} : vector<512x128xi32>
    %jit3A = arith.constant 2 : i32
    %eq3A = arith.constant 0 : i32
    %eq3A_5 = arith.cmpi eq, %jit3A, %eq3A : i32
    %jit3A_6 = arith.constant 1 : i32
    %select_n3A = arith.select %eq3A_5, %jit3A_6, %jit3A : i32
    %rem3A = vector.broadcast %select_n3A : i32 to vector<512x128xi32>
    %rem3A_7 = arith.remsi %iota3A, %rem3A : vector<512x128xi32>
    %ne3A = arith.constant 0 : i32
    %ne3A_8 = vector.broadcast %ne3A : i32 to vector<512x128xi32>
    %ne3A_9 = arith.cmpi ne, %rem3A_7, %ne3A_8 : vector<512x128xi32>
    %lt3A = arith.constant 0 : i32
    %lt3A_10 = vector.broadcast %lt3A : i32 to vector<512x128xi32>
    %lt3A_11 = arith.cmpi slt, %rem3A_7, %lt3A_10 : vector<512x128xi32>
    %lt3A_12 = arith.constant 0 : i32
    %lt3A_13 = arith.cmpi slt, %select_n3A, %lt3A_12 : i32
    %ne3A_14 = vector.broadcast %lt3A_13 : i1 to vector<512x128xi1>
    %ne3A_15 = vector.broadcast %ne3A_14 : vector<512x128xi1> to vector<512x128xi1>
    %ne3A_16 = arith.xori %lt3A_11, %ne3A_15 : vector<512x128xi1>
    %and3A = arith.andi %ne3A_16, %ne3A_9 : vector<512x128xi1>
    %add3A = vector.broadcast %select_n3A : i32 to vector<512x128xi32>
    %add3A_17 = arith.addi %rem3A_7, %add3A : vector<512x128xi32>
    %select_n3A_18 = arith.select %and3A, %add3A_17, %rem3A_7 : vector<512x128xi1>, vector<512x128xi32>
    %eq3A_19 = arith.constant 0 : i32
    %eq3A_20 = vector.broadcast %eq3A_19 : i32 to vector<512x128xi32>
    %eq3A_21 = arith.cmpi eq, %select_n3A_18, %eq3A_20 : vector<512x128xi32>
    %jit3A_22 = arith.constant 2 : i32
    %div3A = vector.broadcast %jit3A_22 : i32 to vector<512x128xi32>
    %div3A_23 = arith.divsi %iota3A, %div3A : vector<512x128xi32>
    %sign3A = arith.constant 0 : i32
    %sign3A_24 = vector.broadcast %sign3A : i32 to vector<512x128xi32>
    %sign3A_25 = arith.cmpi sgt, %iota3A, %sign3A_24 : vector<512x128xi32>
    %sign3A_26 = arith.extui %sign3A_25 : vector<512x128xi1> to vector<512x128xi32>
    %sign3A_27 = arith.constant 0 : i32
    %sign3A_28 = vector.broadcast %sign3A_27 : i32 to vector<512x128xi32>
    %sign3A_29 = arith.cmpi slt, %iota3A, %sign3A_28 : vector<512x128xi32>
    %sign3A_30 = arith.extui %sign3A_29 : vector<512x128xi1> to vector<512x128xi32>
    %sign3A_31 = arith.subi %sign3A_26, %sign3A_30 : vector<512x128xi32>
    %sign3A_32 = arith.constant 0 : i32
    %sign3A_33 = arith.cmpi sgt, %jit3A_22, %sign3A_32 : i32
    %sign3A_34 = arith.extui %sign3A_33 : i1 to i32
    %sign3A_35 = arith.constant 0 : i32
    %sign3A_36 = arith.cmpi slt, %jit3A_22, %sign3A_35 : i32
    %sign3A_37 = arith.extui %sign3A_36 : i1 to i32
    %sign3A_38 = arith.subi %sign3A_34, %sign3A_37 : i32
    %ne3A_39 = vector.broadcast %sign3A_38 : i32 to vector<512x128xi32>
    %ne3A_40 = arith.cmpi ne, %sign3A_31, %ne3A_39 : vector<512x128xi32>
    %rem3A_41 = vector.broadcast %jit3A_22 : i32 to vector<512x128xi32>
    %rem3A_42 = arith.remsi %iota3A, %rem3A_41 : vector<512x128xi32>
    %ne3A_43 = arith.constant 0 : i32
    %ne3A_44 = vector.broadcast %ne3A_43 : i32 to vector<512x128xi32>
    %ne3A_45 = arith.cmpi ne, %rem3A_42, %ne3A_44 : vector<512x128xi32>
    %and3A_46 = arith.andi %ne3A_40, %ne3A_45 : vector<512x128xi1>
    %sub3A = arith.constant 1 : i32
    %sub3A_47 = vector.broadcast %sub3A : i32 to vector<512x128xi32>
    %sub3A_48 = arith.subi %div3A_23, %sub3A_47 : vector<512x128xi32>
    %select_n3A_49 = arith.select %and3A_46, %sub3A_48, %div3A_23 : vector<512x128xi1>, vector<512x128xi32>
    %add3A_50 = arith.constant 0 : i32
    %add3A_51 = vector.broadcast %add3A_50 : i32 to vector<512x128xi32>
    %add3A_52 = arith.addi %add3A_51, %select_n3A_49 : vector<512x128xi32>
    %slice3A = vector.extract_strided_slice %get3A_1 {offsets = [0, 0], sizes = [512, 128], strides = [1, 1]} : vector<512x512xf32> to vector<512x128xf32>
    %slice3A_53 = vector.extract_strided_slice %get3A_4 {offsets = [0, 0], sizes = [512, 128], strides = [1, 1]} : vector<512x512xf32> to vector<512x128xf32>
    %lt3A_54 = arith.constant 0 : i32
    %lt3A_55 = vector.broadcast %lt3A_54 : i32 to vector<512x128xi32>
    %lt3A_56 = arith.cmpi slt, %add3A_52, %lt3A_55 : vector<512x128xi32>
    %add3A_57 = arith.constant 128 : i32
    %add3A_58 = vector.broadcast %add3A_57 : i32 to vector<512x128xi32>
    %add3A_59 = arith.addi %add3A_52, %add3A_58 : vector<512x128xi32>
    %select_n3A_60 = arith.select %lt3A_56, %add3A_59, %add3A_52 : vector<512x128xi1>, vector<512x128xi32>
    %reshape3A = vector.shape_cast %select_n3A_60 : vector<512x128xi32> to vector<512x128x1xi32>
    %gather3A = vector.shape_cast %reshape3A : vector<512x128x1xi32> to vector<512x128xi32>
    %gather3A_61 = tpu.dynamic_gather %slice3A[%gather3A] in [1] : vector<512x128xf32>, vector<512x128xi32> -> vector<512x128xf32>
    %lt3A_62 = arith.constant 0 : i32
    %lt3A_63 = vector.broadcast %lt3A_62 : i32 to vector<512x128xi32>
    %lt3A_64 = arith.cmpi slt, %add3A_52, %lt3A_63 : vector<512x128xi32>
    %add3A_65 = arith.constant 128 : i32
    %add3A_66 = vector.broadcast %add3A_65 : i32 to vector<512x128xi32>
    %add3A_67 = arith.addi %add3A_52, %add3A_66 : vector<512x128xi32>
    %select_n3A_68 = arith.select %lt3A_64, %add3A_67, %add3A_52 : vector<512x128xi1>, vector<512x128xi32>
    %reshape3A_69 = vector.shape_cast %select_n3A_68 : vector<512x128xi32> to vector<512x128x1xi32>
    %gather3A_70 = vector.shape_cast %reshape3A_69 : vector<512x128x1xi32> to vector<512x128xi32>
    %gather3A_71 = tpu.dynamic_gather %slice3A_53[%gather3A_70] in [1] : vector<512x128xf32>, vector<512x128xi32> -> vector<512x128xf32>
    %select_n3A_72 = arith.select %eq3A_21, %gather3A_61, %gather3A_71 : vector<512x128xi1>, vector<512x128xf32>
    %swap3A = arith.constant 0 : index
    %swap3A_73 = arith.constant 0 : index
    %swap3A_74 = vector.load %arg10[%swap3A, %swap3A_73] : memref<512x1024xf32, #tpu.memory_space<vmem>>, vector<512x128xf32>
    tpu.vector_store %arg10[%swap3A, %swap3A_73], %select_n3A_72 {strides = array<i32>} : memref<512x1024xf32, #tpu.memory_space<vmem>>, vector<512x128xf32>,
    %jit3A_75 = arith.constant 2 : i32
    %div3A_76 = vector.broadcast %jit3A_75 : i32 to vector<512x128xi32>
    %div3A_77 = arith.divsi %iota3A, %div3A_76 : vector<512x128xi32>
    %sign3A_78 = arith.constant 0 : i32
    %sign3A_79 = vector.broadcast %sign3A_78 : i32 to vector<512x128xi32>
    %sign3A_80 = arith.cmpi sgt, %iota3A, %sign3A_79 : vector<512x128xi32>
    %sign3A_81 = arith.extui %sign3A_80 : vector<512x128xi1> to vector<512x128xi32>
    %sign3A_82 = arith.constant 0 : i32
    %sign3A_83 = vector.broadcast %sign3A_82 : i32 to vector<512x128xi32>
    %sign3A_84 = arith.cmpi slt, %iota3A, %sign3A_83 : vector<512x128xi32>
    %sign3A_85 = arith.extui %sign3A_84 : vector<512x128xi1> to vector<512x128xi32>
    %sign3A_86 = arith.subi %sign3A_81, %sign3A_85 : vector<512x128xi32>
    %sign3A_87 = arith.constant 0 : i32
    %sign3A_88 = arith.cmpi sgt, %jit3A_75, %sign3A_87 : i32
    %sign3A_89 = arith.extui %sign3A_88 : i1 to i32
    %sign3A_90 = arith.constant 0 : i32
    %sign3A_91 = arith.cmpi slt, %jit3A_75, %sign3A_90 : i32
    %sign3A_92 = arith.extui %sign3A_91 : i1 to i32
    %sign3A_93 = arith.subi %sign3A_89, %sign3A_92 : i32
    %ne3A_94 = vector.broadcast %sign3A_93 : i32 to vector<512x128xi32>
    %ne3A_95 = arith.cmpi ne, %sign3A_86, %ne3A_94 : vector<512x128xi32>
    %rem3A_96 = vector.broadcast %jit3A_75 : i32 to vector<512x128xi32>
    %rem3A_97 = arith.remsi %iota3A, %rem3A_96 : vector<512x128xi32>
    %ne3A_98 = arith.constant 0 : i32
    %ne3A_99 = vector.broadcast %ne3A_98 : i32 to vector<512x128xi32>
    %ne3A_100 = arith.cmpi ne, %rem3A_97, %ne3A_99 : vector<512x128xi32>
    %and3A_101 = arith.andi %ne3A_95, %ne3A_100 : vector<512x128xi1>
    %sub3A_102 = arith.constant 1 : i32
    %sub3A_103 = vector.broadcast %sub3A_102 : i32 to vector<512x128xi32>
    %sub3A_104 = arith.subi %div3A_77, %sub3A_103 : vector<512x128xi32>
    %select_n3A_105 = arith.select %and3A_101, %sub3A_104, %div3A_77 : vector<512x128xi1>, vector<512x128xi32>
    %add3A_106 = arith.constant 64 : i32
    %add3A_107 = vector.broadcast %add3A_106 : i32 to vector<512x128xi32>
    %add3A_108 = arith.addi %add3A_107, %select_n3A_105 : vector<512x128xi32>
    %slice3A_109 = vector.extract_strided_slice %get3A_1 {offsets = [0, 0], sizes = [512, 128], strides = [1, 1]} : vector<512x512xf32> to vector<512x128xf32>
    %slice3A_110 = vector.extract_strided_slice %get3A_4 {offsets = [0, 0], sizes = [512, 128], strides = [1, 1]} : vector<512x512xf32> to vector<512x128xf32>
    %lt3A_111 = arith.constant 0 : i32
    %lt3A_112 = vector.broadcast %lt3A_111 : i32 to vector<512x128xi32>
    %lt3A_113 = arith.cmpi slt, %add3A_108, %lt3A_112 : vector<512x128xi32>
    %add3A_114 = arith.constant 128 : i32
    %add3A_115 = vector.broadcast %add3A_114 : i32 to vector<512x128xi32>
    %add3A_116 = arith.addi %add3A_108, %add3A_115 : vector<512x128xi32>
    %select_n3A_117 = arith.select %lt3A_113, %add3A_116, %add3A_108 : vector<512x128xi1>, vector<512x128xi32>
    %reshape3A_118 = vector.shape_cast %select_n3A_117 : vector<512x128xi32> to vector<512x128x1xi32>
    %gather3A_119 = vector.shape_cast %reshape3A_118 : vector<512x128x1xi32> to vector<512x128xi32>
    %gather3A_120 = tpu.dynamic_gather %slice3A_109[%gather3A_119] in [1] : vector<512x128xf32>, vector<512x128xi32> -> vector<512x128xf32>
    %lt3A_121 = arith.constant 0 : i32
    %lt3A_122 = vector.broadcast %lt3A_121 : i32 to vector<512x128xi32>
    %lt3A_123 = arith.cmpi slt, %add3A_108, %lt3A_122 : vector<512x128xi32>
    %add3A_124 = arith.constant 128 : i32
    %add3A_125 = vector.broadcast %add3A_124 : i32 to vector<512x128xi32>
    %add3A_126 = arith.addi %add3A_108, %add3A_125 : vector<512x128xi32>
    %select_n3A_127 = arith.select %lt3A_123, %add3A_126, %add3A_108 : vector<512x128xi1>, vector<512x128xi32>
    %reshape3A_128 = vector.shape_cast %select_n3A_127 : vector<512x128xi32> to vector<512x128x1xi32>
    %gather3A_129 = vector.shape_cast %reshape3A_128 : vector<512x128x1xi32> to vector<512x128xi32>
    %gather3A_130 = tpu.dynamic_gather %slice3A_110[%gather3A_129] in [1] : vector<512x128xf32>, vector<512x128xi32> -> vector<512x128xf32>
    %select_n3A_131 = arith.select %eq3A_21, %gather3A_120, %gather3A_130 : vector<512x128xi1>, vector<512x128xf32>
    %swap3A_132 = arith.constant 0 : index
    %swap3A_133 = arith.constant 128 : index
    %swap3A_134 = vector.load %arg10[%swap3A_132, %swap3A_133] : memref<512x1024xf32, #tpu.memory_space<vmem>>, vector<512x128xf32>
    tpu.vector_store %arg10[%swap3A_132, %swap3A_133], %select_n3A_131 {strides = array<i32>} : memref<512x1024xf32, #tpu.memory_space<vmem>>, vector<512x128xf32>,
    %jit3A_135 = arith.constant 2 : i32
    %div3A_136 = vector.broadcast %jit3A_135 : i32 to vector<512x128xi32>
    %div3A_137 = arith.divsi %iota3A, %div3A_136 : vector<512x128xi32>
    %sign3A_138 = arith.constant 0 : i32
    %sign3A_139 = vector.broadcast %sign3A_138 : i32 to vector<512x128xi32>
    %sign3A_140 = arith.cmpi sgt, %iota3A, %sign3A_139 : vector<512x128xi32>
    %sign3A_141 = arith.extui %sign3A_140 : vector<512x128xi1> to vector<512x128xi32>
    %sign3A_142 = arith.constant 0 : i32
    %sign3A_143 = vector.broadcast %sign3A_142 : i32 to vector<512x128xi32>
    %sign3A_144 = arith.cmpi slt, %iota3A, %sign3A_143 : vector<512x128xi32>
    %sign3A_145 = arith.extui %sign3A_144 : vector<512x128xi1> to vector<512x128xi32>
    %sign3A_146 = arith.subi %sign3A_141, %sign3A_145 : vector<512x128xi32>
    %sign3A_147 = arith.constant 0 : i32
    %sign3A_148 = arith.cmpi sgt, %jit3A_135, %sign3A_147 : i32
    %sign3A_149 = arith.extui %sign3A_148 : i1 to i32
    %sign3A_150 = arith.constant 0 : i32
    %sign3A_151 = arith.cmpi slt, %jit3A_135, %sign3A_150 : i32
    %sign3A_152 = arith.extui %sign3A_151 : i1 to i32
    %sign3A_153 = arith.subi %sign3A_149, %sign3A_152 : i32
    %ne3A_154 = vector.broadcast %sign3A_153 : i32 to vector<512x128xi32>
    %ne3A_155 = arith.cmpi ne, %sign3A_146, %ne3A_154 : vector<512x128xi32>
    %rem3A_156 = vector.broadcast %jit3A_135 : i32 to vector<512x128xi32>
    %rem3A_157 = arith.remsi %iota3A, %rem3A_156 : vector<512x128xi32>
    %ne3A_158 = arith.constant 0 : i32
    %ne3A_159 = vector.broadcast %ne3A_158 : i32 to vector<512x128xi32>
    %ne3A_160 = arith.cmpi ne, %rem3A_157, %ne3A_159 : vector<512x128xi32>
    %and3A_161 = arith.andi %ne3A_155, %ne3A_160 : vector<512x128xi1>
    %sub3A_162 = arith.constant 1 : i32
    %sub3A_163 = vector.broadcast %sub3A_162 : i32 to vector<512x128xi32>
    %sub3A_164 = arith.subi %div3A_137, %sub3A_163 : vector<512x128xi32>
    %select_n3A_165 = arith.select %and3A_161, %sub3A_164, %div3A_137 : vector<512x128xi1>, vector<512x128xi32>
    %add3A_166 = arith.constant 0 : i32
    %add3A_167 = vector.broadcast %add3A_166 : i32 to vector<512x128xi32>
    %add3A_168 = arith.addi %add3A_167, %select_n3A_165 : vector<512x128xi32>
    %slice3A_169 = vector.extract_strided_slice %get3A_1 {offsets = [0, 128], sizes = [512, 128], strides = [1, 1]} : vector<512x512xf32> to vector<512x128xf32>
    %slice3A_170 = vector.extract_strided_slice %get3A_4 {offsets = [0, 128], sizes = [512, 128], strides = [1, 1]} : vector<512x512xf32> to vector<512x128xf32>
    %lt3A_171 = arith.constant 0 : i32
    %lt3A_172 = vector.broadcast %lt3A_171 : i32 to vector<512x128xi32>
    %lt3A_173 = arith.cmpi slt, %add3A_168, %lt3A_172 : vector<512x128xi32>
    %add3A_174 = arith.constant 128 : i32
    %add3A_175 = vector.broadcast %add3A_174 : i32 to vector<512x128xi32>
    %add3A_176 = arith.addi %add3A_168, %add3A_175 : vector<512x128xi32>
    %select_n3A_177 = arith.select %lt3A_173, %add3A_176, %add3A_168 : vector<512x128xi1>, vector<512x128xi32>
    %reshape3A_178 = vector.shape_cast %select_n3A_177 : vector<512x128xi32> to vector<512x128x1xi32>
    %gather3A_179 = vector.shape_cast %reshape3A_178 : vector<512x128x1xi32> to vector<512x128xi32>
    %gather3A_180 = tpu.dynamic_gather %slice3A_169[%gather3A_179] in [1] : vector<512x128xf32>, vector<512x128xi32> -> vector<512x128xf32>
    %lt3A_181 = arith.constant 0 : i32
    %lt3A_182 = vector.broadcast %lt3A_181 : i32 to vector<512x128xi32>
    %lt3A_183 = arith.cmpi slt, %add3A_168, %lt3A_182 : vector<512x128xi32>
    %add3A_184 = arith.constant 128 : i32
    %add3A_185 = vector.broadcast %add3A_184 : i32 to vector<512x128xi32>
    %add3A_186 = arith.addi %add3A_168, %add3A_185 : vector<512x128xi32>
    %select_n3A_187 = arith.select %lt3A_183, %add3A_186, %add3A_168 : vector<512x128xi1>, vector<512x128xi32>
    %reshape3A_188 = vector.shape_cast %select_n3A_187 : vector<512x128xi32> to vector<512x128x1xi32>
    %gather3A_189 = vector.shape_cast %reshape3A_188 : vector<512x128x1xi32> to vector<512x128xi32>
    %gather3A_190 = tpu.dynamic_gather %slice3A_170[%gather3A_189] in [1] : vector<512x128xf32>, vector<512x128xi32> -> vector<512x128xf32>
    %select_n3A_191 = arith.select %eq3A_21, %gather3A_180, %gather3A_190 : vector<512x128xi1>, vector<512x128xf32>
    %swap3A_192 = arith.constant 0 : index
    %swap3A_193 = arith.constant 256 : index
    %swap3A_194 = vector.load %arg10[%swap3A_192, %swap3A_193] : memref<512x1024xf32, #tpu.memory_space<vmem>>, vector<512x128xf32>
    tpu.vector_store %arg10[%swap3A_192, %swap3A_193], %select_n3A_191 {strides = array<i32>} : memref<512x1024xf32, #tpu.memory_space<vmem>>, vector<512x128xf32>,
    %jit3A_195 = arith.constant 2 : i32
    %div3A_196 = vector.broadcast %jit3A_195 : i32 to vector<512x128xi32>
    %div3A_197 = arith.divsi %iota3A, %div3A_196 : vector<512x128xi32>
    %sign3A_198 = arith.constant 0 : i32
    %sign3A_199 = vector.broadcast %sign3A_198 : i32 to vector<512x128xi32>
    %sign3A_200 = arith.cmpi sgt, %iota3A, %sign3A_199 : vector<512x128xi32>
    %sign3A_201 = arith.extui %sign3A_200 : vector<512x128xi1> to vector<512x128xi32>
    %sign3A_202 = arith.constant 0 : i32
    %sign3A_203 = vector.broadcast %sign3A_202 : i32 to vector<512x128xi32>
    %sign3A_204 = arith.cmpi slt, %iota3A, %sign3A_203 : vector<512x128xi32>
    %sign3A_205 = arith.extui %sign3A_204 : vector<512x128xi1> to vector<512x128xi32>
    %sign3A_206 = arith.subi %sign3A_201, %sign3A_205 : vector<512x128xi32>
    %sign3A_207 = arith.constant 0 : i32
    %sign3A_208 = arith.cmpi sgt, %jit3A_195, %sign3A_207 : i32
    %sign3A_209 = arith.extui %sign3A_208 : i1 to i32
    %sign3A_210 = arith.constant 0 : i32
    %sign3A_211 = arith.cmpi slt, %jit3A_195, %sign3A_210 : i32
    %sign3A_212 = arith.extui %sign3A_211 : i1 to i32
    %sign3A_213 = arith.subi %sign3A_209, %sign3A_212 : i32
    %ne3A_214 = vector.broadcast %sign3A_213 : i32 to vector<512x128xi32>
    %ne3A_215 = arith.cmpi ne, %sign3A_206, %ne3A_214 : vector<512x128xi32>
    %rem3A_216 = vector.broadcast %jit3A_195 : i32 to vector<512x128xi32>
    %rem3A_217 = arith.remsi %iota3A, %rem3A_216 : vector<512x128xi32>
    %ne3A_218 = arith.constant 0 : i32
    %ne3A_219 = vector.broadcast %ne3A_218 : i32 to vector<512x128xi32>
    %ne3A_220 = arith.cmpi ne, %rem3A_217, %ne3A_219 : vector<512x128xi32>
    %and3A_221 = arith.andi %ne3A_215, %ne3A_220 : vector<512x128xi1>
    %sub3A_222 = arith.constant 1 : i32
    %sub3A_223 = vector.broadcast %sub3A_222 : i32 to vector<512x128xi32>
    %sub3A_224 = arith.subi %div3A_197, %sub3A_223 : vector<512x128xi32>
    %select_n3A_225 = arith.select %and3A_221, %sub3A_224, %div3A_197 : vector<512x128xi1>, vector<512x128xi32>
    %add3A_226 = arith.constant 64 : i32
    %add3A_227 = vector.broadcast %add3A_226 : i32 to vector<512x128xi32>
    %add3A_228 = arith.addi %add3A_227, %select_n3A_225 : vector<512x128xi32>
    %slice3A_229 = vector.extract_strided_slice %get3A_1 {offsets = [0, 128], sizes = [512, 128], strides = [1, 1]} : vector<512x512xf32> to vector<512x128xf32>
    %slice3A_230 = vector.extract_strided_slice %get3A_4 {offsets = [0, 128], sizes = [512, 128], strides = [1, 1]} : vector<512x512xf32> to vector<512x128xf32>
    %lt3A_231 = arith.constant 0 : i32
    %lt3A_232 = vector.broadcast %lt3A_231 : i32 to vector<512x128xi32>
    %lt3A_233 = arith.cmpi slt, %add3A_228, %lt3A_232 : vector<512x128xi32>
    %add3A_234 = arith.constant 128 : i32
    %add3A_235 = vector.broadcast %add3A_234 : i32 to vector<512x128xi32>
    %add3A_236 = arith.addi %add3A_228, %add3A_235 : vector<512x128xi32>
    %select_n3A_237 = arith.select %lt3A_233, %add3A_236, %add3A_228 : vector<512x128xi1>, vector<512x128xi32>
    %reshape3A_238 = vector.shape_cast %select_n3A_237 : vector<512x128xi32> to vector<512x128x1xi32>
    %gather3A_239 = vector.shape_cast %reshape3A_238 : vector<512x128x1xi32> to vector<512x128xi32>
    %gather3A_240 = tpu.dynamic_gather %slice3A_229[%gather3A_239] in [1] : vector<512x128xf32>, vector<512x128xi32> -> vector<512x128xf32>
    %lt3A_241 = arith.constant 0 : i32
    %lt3A_242 = vector.broadcast %lt3A_241 : i32 to vector<512x128xi32>
    %lt3A_243 = arith.cmpi slt, %add3A_228, %lt3A_242 : vector<512x128xi32>
    %add3A_244 = arith.constant 128 : i32
    %add3A_245 = vector.broadcast %add3A_244 : i32 to vector<512x128xi32>
    %add3A_246 = arith.addi %add3A_228, %add3A_245 : vector<512x128xi32>
    %select_n3A_247 = arith.select %lt3A_243, %add3A_246, %add3A_228 : vector<512x128xi1>, vector<512x128xi32>
    %reshape3A_248 = vector.shape_cast %select_n3A_247 : vector<512x128xi32> to vector<512x128x1xi32>
    %gather3A_249 = vector.shape_cast %reshape3A_248 : vector<512x128x1xi32> to vector<512x128xi32>
    %gather3A_250 = tpu.dynamic_gather %slice3A_230[%gather3A_249] in [1] : vector<512x128xf32>, vector<512x128xi32> -> vector<512x128xf32>
    %select_n3A_251 = arith.select %eq3A_21, %gather3A_240, %gather3A_250 : vector<512x128xi1>, vector<512x128xf32>
    %swap3A_252 = arith.constant 0 : index
    %swap3A_253 = arith.constant 384 : index
    %swap3A_254 = vector.load %arg10[%swap3A_252, %swap3A_253] : memref<512x1024xf32, #tpu.memory_space<vmem>>, vector<512x128xf32>
    tpu.vector_store %arg10[%swap3A_252, %swap3A_253], %select_n3A_251 {strides = array<i32>} : memref<512x1024xf32, #tpu.memory_space<vmem>>, vector<512x128xf32>,
    %jit3A_255 = arith.constant 2 : i32
    %div3A_256 = vector.broadcast %jit3A_255 : i32 to vector<512x128xi32>
    %div3A_257 = arith.divsi %iota3A, %div3A_256 : vector<512x128xi32>
    %sign3A_258 = arith.constant 0 : i32
    %sign3A_259 = vector.broadcast %sign3A_258 : i32 to vector<512x128xi32>
    %sign3A_260 = arith.cmpi sgt, %iota3A, %sign3A_259 : vector<512x128xi32>
    %sign3A_261 = arith.extui %sign3A_260 : vector<512x128xi1> to vector<512x128xi32>
    %sign3A_262 = arith.constant 0 : i32
    %sign3A_263 = vector.broadcast %sign3A_262 : i32 to vector<512x128xi32>
    %sign3A_264 = arith.cmpi slt, %iota3A, %sign3A_263 : vector<512x128xi32>
    %sign3A_265 = arith.extui %sign3A_264 : vector<512x128xi1> to vector<512x128xi32>
    %sign3A_266 = arith.subi %sign3A_261, %sign3A_265 : vector<512x128xi32>
    %sign3A_267 = arith.constant 0 : i32
    %sign3A_268 = arith.cmpi sgt, %jit3A_255, %sign3A_267 : i32
    %sign3A_269 = arith.extui %sign3A_268 : i1 to i32
    %sign3A_270 = arith.constant 0 : i32
    %sign3A_271 = arith.cmpi slt, %jit3A_255, %sign3A_270 : i32
    %sign3A_272 = arith.extui %sign3A_271 : i1 to i32
    %sign3A_273 = arith.subi %sign3A_269, %sign3A_272 : i32
    %ne3A_274 = vector.broadcast %sign3A_273 : i32 to vector<512x128xi32>
    %ne3A_275 = arith.cmpi ne, %sign3A_266, %ne3A_274 : vector<512x128xi32>
    %rem3A_276 = vector.broadcast %jit3A_255 : i32 to vector<512x128xi32>
    %rem3A_277 = arith.remsi %iota3A, %rem3A_276 : vector<512x128xi32>
    %ne3A_278 = arith.constant 0 : i32
    %ne3A_279 = vector.broadcast %ne3A_278 : i32 to vector<512x128xi32>
    %ne3A_280 = arith.cmpi ne, %rem3A_277, %ne3A_279 : vector<512x128xi32>
    %and3A_281 = arith.andi %ne3A_275, %ne3A_280 : vector<512x128xi1>
    %sub3A_282 = arith.constant 1 : i32
    %sub3A_283 = vector.broadcast %sub3A_282 : i32 to vector<512x128xi32>
    %sub3A_284 = arith.subi %div3A_257, %sub3A_283 : vector<512x128xi32>
    %select_n3A_285 = arith.select %and3A_281, %sub3A_284, %div3A_257 : vector<512x128xi1>, vector<512x128xi32>
    %add3A_286 = arith.constant 0 : i32
    %add3A_287 = vector.broadcast %add3A_286 : i32 to vector<512x128xi32>
    %add3A_288 = arith.addi %add3A_287, %select_n3A_285 : vector<512x128xi32>
    %slice3A_289 = vector.extract_strided_slice %get3A_1 {offsets = [0, 256], sizes = [512, 128], strides = [1, 1]} : vector<512x512xf32> to vector<512x128xf32>
    %slice3A_290 = vector.extract_strided_slice %get3A_4 {offsets = [0, 256], sizes = [512, 128], strides = [1, 1]} : vector<512x512xf32> to vector<512x128xf32>
    %lt3A_291 = arith.constant 0 : i32
    %lt3A_292 = vector.broadcast %lt3A_291 : i32 to vector<512x128xi32>
    %lt3A_293 = arith.cmpi slt, %add3A_288, %lt3A_292 : vector<512x128xi32>
    %add3A_294 = arith.constant 128 : i32
    %add3A_295 = vector.broadcast %add3A_294 : i32 to vector<512x128xi32>
    %add3A_296 = arith.addi %add3A_288, %add3A_295 : vector<512x128xi32>
    %select_n3A_297 = arith.select %lt3A_293, %add3A_296, %add3A_288 : vector<512x128xi1>, vector<512x128xi32>
    %reshape3A_298 = vector.shape_cast %select_n3A_297 : vector<512x128xi32> to vector<512x128x1xi32>
    %gather3A_299 = vector.shape_cast %reshape3A_298 : vector<512x128x1xi32> to vector<512x128xi32>
    %gather3A_300 = tpu.dynamic_gather %slice3A_289[%gather3A_299] in [1] : vector<512x128xf32>, vector<512x128xi32> -> vector<512x128xf32>
    %lt3A_301 = arith.constant 0 : i32
    %lt3A_302 = vector.broadcast %lt3A_301 : i32 to vector<512x128xi32>
    %lt3A_303 = arith.cmpi slt, %add3A_288, %lt3A_302 : vector<512x128xi32>
    %add3A_304 = arith.constant 128 : i32
    %add3A_305 = vector.broadcast %add3A_304 : i32 to vector<512x128xi32>
    %add3A_306 = arith.addi %add3A_288, %add3A_305 : vector<512x128xi32>
    %select_n3A_307 = arith.select %lt3A_303, %add3A_306, %add3A_288 : vector<512x128xi1>, vector<512x128xi32>
    %reshape3A_308 = vector.shape_cast %select_n3A_307 : vector<512x128xi32> to vector<512x128x1xi32>
    %gather3A_309 = vector.shape_cast %reshape3A_308 : vector<512x128x1xi32> to vector<512x128xi32>
    %gather3A_310 = tpu.dynamic_gather %slice3A_290[%gather3A_309] in [1] : vector<512x128xf32>, vector<512x128xi32> -> vector<512x128xf32>
    %select_n3A_311 = arith.select %eq3A_21, %gather3A_300, %gather3A_310 : vector<512x128xi1>, vector<512x128xf32>
    %swap3A_312 = arith.constant 0 : index
    %swap3A_313 = arith.constant 512 : index
    %swap3A_314 = vector.load %arg10[%swap3A_312, %swap3A_313] : memref<512x1024xf32, #tpu.memory_space<vmem>>, vector<512x128xf32>
    tpu.vector_store %arg10[%swap3A_312, %swap3A_313], %select_n3A_311 {strides = array<i32>} : memref<512x1024xf32, #tpu.memory_space<vmem>>, vector<512x128xf32>,
    %jit3A_315 = arith.constant 2 : i32
    %div3A_316 = vector.broadcast %jit3A_315 : i32 to vector<512x128xi32>
    %div3A_317 = arith.divsi %iota3A, %div3A_316 : vector<512x128xi32>
    %sign3A_318 = arith.constant 0 : i32
    %sign3A_319 = vector.broadcast %sign3A_318 : i32 to vector<512x128xi32>
    %sign3A_320 = arith.cmpi sgt, %iota3A, %sign3A_319 : vector<512x128xi32>
    %sign3A_321 = arith.extui %sign3A_320 : vector<512x128xi1> to vector<512x128xi32>
    %sign3A_322 = arith.constant 0 : i32
    %sign3A_323 = vector.broadcast %sign3A_322 : i32 to vector<512x128xi32>
    %sign3A_324 = arith.cmpi slt, %iota3A, %sign3A_323 : vector<512x128xi32>
    %sign3A_325 = arith.extui %sign3A_324 : vector<512x128xi1> to vector<512x128xi32>
    %sign3A_326 = arith.subi %sign3A_321, %sign3A_325 : vector<512x128xi32>
    %sign3A_327 = arith.constant 0 : i32
    %sign3A_328 = arith.cmpi sgt, %jit3A_315, %sign3A_327 : i32
    %sign3A_329 = arith.extui %sign3A_328 : i1 to i32
    %sign3A_330 = arith.constant 0 : i32
    %sign3A_331 = arith.cmpi slt, %jit3A_315, %sign3A_330 : i32
    %sign3A_332 = arith.extui %sign3A_331 : i1 to i32
    %sign3A_333 = arith.subi %sign3A_329, %sign3A_332 : i32
    %ne3A_334 = vector.broadcast %sign3A_333 : i32 to vector<512x128xi32>
    %ne3A_335 = arith.cmpi ne, %sign3A_326, %ne3A_334 : vector<512x128xi32>
    %rem3A_336 = vector.broadcast %jit3A_315 : i32 to vector<512x128xi32>
    %rem3A_337 = arith.remsi %iota3A, %rem3A_336 : vector<512x128xi32>
    %ne3A_338 = arith.constant 0 : i32
    %ne3A_339 = vector.broadcast %ne3A_338 : i32 to vector<512x128xi32>
    %ne3A_340 = arith.cmpi ne, %rem3A_337, %ne3A_339 : vector<512x128xi32>
    %and3A_341 = arith.andi %ne3A_335, %ne3A_340 : vector<512x128xi1>
    %sub3A_342 = arith.constant 1 : i32
    %sub3A_343 = vector.broadcast %sub3A_342 : i32 to vector<512x128xi32>
    %sub3A_344 = arith.subi %div3A_317, %sub3A_343 : vector<512x128xi32>
    %select_n3A_345 = arith.select %and3A_341, %sub3A_344, %div3A_317 : vector<512x128xi1>, vector<512x128xi32>
    %add3A_346 = arith.constant 64 : i32
    %add3A_347 = vector.broadcast %add3A_346 : i32 to vector<512x128xi32>
    %add3A_348 = arith.addi %add3A_347, %select_n3A_345 : vector<512x128xi32>
    %slice3A_349 = vector.extract_strided_slice %get3A_1 {offsets = [0, 256], sizes = [512, 128], strides = [1, 1]} : vector<512x512xf32> to vector<512x128xf32>
    %slice3A_350 = vector.extract_strided_slice %get3A_4 {offsets = [0, 256], sizes = [512, 128], strides = [1, 1]} : vector<512x512xf32> to vector<512x128xf32>
    %lt3A_351 = arith.constant 0 : i32
    %lt3A_352 = vector.broadcast %lt3A_351 : i32 to vector<512x128xi32>
    %lt3A_353 = arith.cmpi slt, %add3A_348, %lt3A_352 : vector<512x128xi32>
    %add3A_354 = arith.constant 128 : i32
    %add3A_355 = vector.broadcast %add3A_354 : i32 to vector<512x128xi32>
    %add3A_356 = arith.addi %add3A_348, %add3A_355 : vector<512x128xi32>
    %select_n3A_357 = arith.select %lt3A_353, %add3A_356, %add3A_348 : vector<512x128xi1>, vector<512x128xi32>
    %reshape3A_358 = vector.shape_cast %select_n3A_357 : vector<512x128xi32> to vector<512x128x1xi32>
    %gather3A_359 = vector.shape_cast %reshape3A_358 : vector<512x128x1xi32> to vector<512x128xi32>
    %gather3A_360 = tpu.dynamic_gather %slice3A_349[%gather3A_359] in [1] : vector<512x128xf32>, vector<512x128xi32> -> vector<512x128xf32>
    %lt3A_361 = arith.constant 0 : i32
    %lt3A_362 = vector.broadcast %lt3A_361 : i32 to vector<512x128xi32>
    %lt3A_363 = arith.cmpi slt, %add3A_348, %lt3A_362 : vector<512x128xi32>
    %add3A_364 = arith.constant 128 : i32
    %add3A_365 = vector.broadcast %add3A_364 : i32 to vector<512x128xi32>
    %add3A_366 = arith.addi %add3A_348, %add3A_365 : vector<512x128xi32>
    %select_n3A_367 = arith.select %lt3A_363, %add3A_366, %add3A_348 : vector<512x128xi1>, vector<512x128xi32>
    %reshape3A_368 = vector.shape_cast %select_n3A_367 : vector<512x128xi32> to vector<512x128x1xi32>
    %gather3A_369 = vector.shape_cast %reshape3A_368 : vector<512x128x1xi32> to vector<512x128xi32>
    %gather3A_370 = tpu.dynamic_gather %slice3A_350[%gather3A_369] in [1] : vector<512x128xf32>, vector<512x128xi32> -> vector<512x128xf32>
    %select_n3A_371 = arith.select %eq3A_21, %gather3A_360, %gather3A_370 : vector<512x128xi1>, vector<512x128xf32>
    %swap3A_372 = arith.constant 0 : index
    %swap3A_373 = arith.constant 640 : index
    %swap3A_374 = vector.load %arg10[%swap3A_372, %swap3A_373] : memref<512x1024xf32, #tpu.memory_space<vmem>>, vector<512x128xf32>
    tpu.vector_store %arg10[%swap3A_372, %swap3A_373], %select_n3A_371 {strides = array<i32>} : memref<512x1024xf32, #tpu.memory_space<vmem>>, vector<512x128xf32>,
    %jit3A_375 = arith.constant 2 : i32
    %div3A_376 = vector.broadcast %jit3A_375 : i32 to vector<512x128xi32>
    %div3A_377 = arith.divsi %iota3A, %div3A_376 : vector<512x128xi32>
    %sign3A_378 = arith.constant 0 : i32
    %sign3A_379 = vector.broadcast %sign3A_378 : i32 to vector<512x128xi32>
    %sign3A_380 = arith.cmpi sgt, %iota3A, %sign3A_379 : vector<512x128xi32>
    %sign3A_381 = arith.extui %sign3A_380 : vector<512x128xi1> to vector<512x128xi32>
    %sign3A_382 = arith.constant 0 : i32
    %sign3A_383 = vector.broadcast %sign3A_382 : i32 to vector<512x128xi32>
    %sign3A_384 = arith.cmpi slt, %iota3A, %sign3A_383 : vector<512x128xi32>
    %sign3A_385 = arith.extui %sign3A_384 : vector<512x128xi1> to vector<512x128xi32>
    %sign3A_386 = arith.subi %sign3A_381, %sign3A_385 : vector<512x128xi32>
    %sign3A_387 = arith.constant 0 : i32
    %sign3A_388 = arith.cmpi sgt, %jit3A_375, %sign3A_387 : i32
    %sign3A_389 = arith.extui %sign3A_388 : i1 to i32
    %sign3A_390 = arith.constant 0 : i32
    %sign3A_391 = arith.cmpi slt, %jit3A_375, %sign3A_390 : i32
    %sign3A_392 = arith.extui %sign3A_391 : i1 to i32
    %sign3A_393 = arith.subi %sign3A_389, %sign3A_392 : i32
    %ne3A_394 = vector.broadcast %sign3A_393 : i32 to vector<512x128xi32>
    %ne3A_395 = arith.cmpi ne, %sign3A_386, %ne3A_394 : vector<512x128xi32>
    %rem3A_396 = vector.broadcast %jit3A_375 : i32 to vector<512x128xi32>
    %rem3A_397 = arith.remsi %iota3A, %rem3A_396 : vector<512x128xi32>
    %ne3A_398 = arith.constant 0 : i32
    %ne3A_399 = vector.broadcast %ne3A_398 : i32 to vector<512x128xi32>
    %ne3A_400 = arith.cmpi ne, %rem3A_397, %ne3A_399 : vector<512x128xi32>
    %and3A_401 = arith.andi %ne3A_395, %ne3A_400 : vector<512x128xi1>
    %sub3A_402 = arith.constant 1 : i32
    %sub3A_403 = vector.broadcast %sub3A_402 : i32 to vector<512x128xi32>
    %sub3A_404 = arith.subi %div3A_377, %sub3A_403 : vector<512x128xi32>
    %select_n3A_405 = arith.select %and3A_401, %sub3A_404, %div3A_377 : vector<512x128xi1>, vector<512x128xi32>
    %add3A_406 = arith.constant 0 : i32
    %add3A_407 = vector.broadcast %add3A_406 : i32 to vector<512x128xi32>
    %add3A_408 = arith.addi %add3A_407, %select_n3A_405 : vector<512x128xi32>
    %slice3A_409 = vector.extract_strided_slice %get3A_1 {offsets = [0, 384], sizes = [512, 128], strides = [1, 1]} : vector<512x512xf32> to vector<512x128xf32>
    %slice3A_410 = vector.extract_strided_slice %get3A_4 {offsets = [0, 384], sizes = [512, 128], strides = [1, 1]} : vector<512x512xf32> to vector<512x128xf32>
    %lt3A_411 = arith.constant 0 : i32
    %lt3A_412 = vector.broadcast %lt3A_411 : i32 to vector<512x128xi32>
    %lt3A_413 = arith.cmpi slt, %add3A_408, %lt3A_412 : vector<512x128xi32>
    %add3A_414 = arith.constant 128 : i32
    %add3A_415 = vector.broadcast %add3A_414 : i32 to vector<512x128xi32>
    %add3A_416 = arith.addi %add3A_408, %add3A_415 : vector<512x128xi32>
    %select_n3A_417 = arith.select %lt3A_413, %add3A_416, %add3A_408 : vector<512x128xi1>, vector<512x128xi32>
    %reshape3A_418 = vector.shape_cast %select_n3A_417 : vector<512x128xi32> to vector<512x128x1xi32>
    %gather3A_419 = vector.shape_cast %reshape3A_418 : vector<512x128x1xi32> to vector<512x128xi32>
    %gather3A_420 = tpu.dynamic_gather %slice3A_409[%gather3A_419] in [1] : vector<512x128xf32>, vector<512x128xi32> -> vector<512x128xf32>
    %lt3A_421 = arith.constant 0 : i32
    %lt3A_422 = vector.broadcast %lt3A_421 : i32 to vector<512x128xi32>
    %lt3A_423 = arith.cmpi slt, %add3A_408, %lt3A_422 : vector<512x128xi32>
    %add3A_424 = arith.constant 128 : i32
    %add3A_425 = vector.broadcast %add3A_424 : i32 to vector<512x128xi32>
    %add3A_426 = arith.addi %add3A_408, %add3A_425 : vector<512x128xi32>
    %select_n3A_427 = arith.select %lt3A_423, %add3A_426, %add3A_408 : vector<512x128xi1>, vector<512x128xi32>
    %reshape3A_428 = vector.shape_cast %select_n3A_427 : vector<512x128xi32> to vector<512x128x1xi32>
    %gather3A_429 = vector.shape_cast %reshape3A_428 : vector<512x128x1xi32> to vector<512x128xi32>
    %gather3A_430 = tpu.dynamic_gather %slice3A_410[%gather3A_429] in [1] : vector<512x128xf32>, vector<512x128xi32> -> vector<512x128xf32>
    %select_n3A_431 = arith.select %eq3A_21, %gather3A_420, %gather3A_430 : vector<512x128xi1>, vector<512x128xf32>
    %swap3A_432 = arith.constant 0 : index
    %swap3A_433 = arith.constant 768 : index
    %swap3A_434 = vector.load %arg10[%swap3A_432, %swap3A_433] : memref<512x1024xf32, #tpu.memory_space<vmem>>, vector<512x128xf32>
    tpu.vector_store %arg10[%swap3A_432, %swap3A_433], %select_n3A_431 {strides = array<i32>} : memref<512x1024xf32, #tpu.memory_space<vmem>>, vector<512x128xf32>,
    %jit3A_435 = arith.constant 2 : i32
    %div3A_436 = vector.broadcast %jit3A_435 : i32 to vector<512x128xi32>
    %div3A_437 = arith.divsi %iota3A, %div3A_436 : vector<512x128xi32>
    %sign3A_438 = arith.constant 0 : i32
    %sign3A_439 = vector.broadcast %sign3A_438 : i32 to vector<512x128xi32>
    %sign3A_440 = arith.cmpi sgt, %iota3A, %sign3A_439 : vector<512x128xi32>
    %sign3A_441 = arith.extui %sign3A_440 : vector<512x128xi1> to vector<512x128xi32>
    %sign3A_442 = arith.constant 0 : i32
    %sign3A_443 = vector.broadcast %sign3A_442 : i32 to vector<512x128xi32>
    %sign3A_444 = arith.cmpi slt, %iota3A, %sign3A_443 : vector<512x128xi32>
    %sign3A_445 = arith.extui %sign3A_444 : vector<512x128xi1> to vector<512x128xi32>
    %sign3A_446 = arith.subi %sign3A_441, %sign3A_445 : vector<512x128xi32>
    %sign3A_447 = arith.constant 0 : i32
    %sign3A_448 = arith.cmpi sgt, %jit3A_435, %sign3A_447 : i32
    %sign3A_449 = arith.extui %sign3A_448 : i1 to i32
    %sign3A_450 = arith.constant 0 : i32
    %sign3A_451 = arith.cmpi slt, %jit3A_435, %sign3A_450 : i32
    %sign3A_452 = arith.extui %sign3A_451 : i1 to i32
    %sign3A_453 = arith.subi %sign3A_449, %sign3A_452 : i32
    %ne3A_454 = vector.broadcast %sign3A_453 : i32 to vector<512x128xi32>
    %ne3A_455 = arith.cmpi ne, %sign3A_446, %ne3A_454 : vector<512x128xi32>
    %rem3A_456 = vector.broadcast %jit3A_435 : i32 to vector<512x128xi32>
    %rem3A_457 = arith.remsi %iota3A, %rem3A_456 : vector<512x128xi32>
    %ne3A_458 = arith.constant 0 : i32
    %ne3A_459 = vector.broadcast %ne3A_458 : i32 to vector<512x128xi32>
    %ne3A_460 = arith.cmpi ne, %rem3A_457, %ne3A_459 : vector<512x128xi32>
    %and3A_461 = arith.andi %ne3A_455, %ne3A_460 : vector<512x128xi1>
    %sub3A_462 = arith.constant 1 : i32
    %sub3A_463 = vector.broadcast %sub3A_462 : i32 to vector<512x128xi32>
    %sub3A_464 = arith.subi %div3A_437, %sub3A_463 : vector<512x128xi32>
    %select_n3A_465 = arith.select %and3A_461, %sub3A_464, %div3A_437 : vector<512x128xi1>, vector<512x128xi32>
    %add3A_466 = arith.constant 64 : i32
    %add3A_467 = vector.broadcast %add3A_466 : i32 to vector<512x128xi32>
    %add3A_468 = arith.addi %add3A_467, %select_n3A_465 : vector<512x128xi32>
    %slice3A_469 = vector.extract_strided_slice %get3A_1 {offsets = [0, 384], sizes = [512, 128], strides = [1, 1]} : vector<512x512xf32> to vector<512x128xf32>
    %slice3A_470 = vector.extract_strided_slice %get3A_4 {offsets = [0, 384], sizes = [512, 128], strides = [1, 1]} : vector<512x512xf32> to vector<512x128xf32>
    %lt3A_471 = arith.constant 0 : i32
    %lt3A_472 = vector.broadcast %lt3A_471 : i32 to vector<512x128xi32>
    %lt3A_473 = arith.cmpi slt, %add3A_468, %lt3A_472 : vector<512x128xi32>
    %add3A_474 = arith.constant 128 : i32
    %add3A_475 = vector.broadcast %add3A_474 : i32 to vector<512x128xi32>
    %add3A_476 = arith.addi %add3A_468, %add3A_475 : vector<512x128xi32>
    %select_n3A_477 = arith.select %lt3A_473, %add3A_476, %add3A_468 : vector<512x128xi1>, vector<512x128xi32>
    %reshape3A_478 = vector.shape_cast %select_n3A_477 : vector<512x128xi32> to vector<512x128x1xi32>
    %gather3A_479 = vector.shape_cast %reshape3A_478 : vector<512x128x1xi32> to vector<512x128xi32>
    %gather3A_480 = tpu.dynamic_gather %slice3A_469[%gather3A_479] in [1] : vector<512x128xf32>, vector<512x128xi32> -> vector<512x128xf32>
    %lt3A_481 = arith.constant 0 : i32
    %lt3A_482 = vector.broadcast %lt3A_481 : i32 to vector<512x128xi32>
    %lt3A_483 = arith.cmpi slt, %add3A_468, %lt3A_482 : vector<512x128xi32>
    %add3A_484 = arith.constant 128 : i32
    %add3A_485 = vector.broadcast %add3A_484 : i32 to vector<512x128xi32>
    %add3A_486 = arith.addi %add3A_468, %add3A_485 : vector<512x128xi32>
    %select_n3A_487 = arith.select %lt3A_483, %add3A_486, %add3A_468 : vector<512x128xi1>, vector<512x128xi32>
    %reshape3A_488 = vector.shape_cast %select_n3A_487 : vector<512x128xi32> to vector<512x128x1xi32>
    %gather3A_489 = vector.shape_cast %reshape3A_488 : vector<512x128x1xi32> to vector<512x128xi32>
    %gather3A_490 = tpu.dynamic_gather %slice3A_470[%gather3A_489] in [1] : vector<512x128xf32>, vector<512x128xi32> -> vector<512x128xf32>
    %select_n3A_491 = arith.select %eq3A_21, %gather3A_480, %gather3A_490 : vector<512x128xi1>, vector<512x128xf32>
    %swap3A_492 = arith.constant 0 : index
    %swap3A_493 = arith.constant 896 : index
    %swap3A_494 = vector.load %arg10[%swap3A_492, %swap3A_493] : memref<512x1024xf32, #tpu.memory_space<vmem>>, vector<512x128xf32>
    tpu.vector_store %arg10[%swap3A_492, %swap3A_493], %select_n3A_491 {strides = array<i32>} : memref<512x1024xf32, #tpu.memory_space<vmem>>, vector<512x128xf32>,
    %eq3A_495 = arith.constant 0 : i32
    %eq3A_496 = arith.cmpi eq, %arg1, %eq3A_495 : i32
    %convert_element_type3A = arith.extui %eq3A_496 : i1 to i32
    %cond3A = arith.constant 0 : i32
    %cond3A_497 = arith.cmpi ne, %convert_element_type3A, %cond3A : i32
    scf.if %cond3A_497 {
      %broadcast_in_dim3A = arith.constant 0.000000e+00 : f32
      %broadcast_in_dim3A_523 = vector.broadcast %broadcast_in_dim3A : f32 to vector<512x64xf32>
      %swap3A_524 = arith.constant 0 : index
      %swap3A_525 = arith.constant 0 : index
      %swap3A_526 = vector.load %arg12[%swap3A_524, %swap3A_525] : memref<512x64xf32, #tpu.memory_space<vmem>>, vector<512x64xf32>
      tpu.vector_store %arg12[%swap3A_524, %swap3A_525], %broadcast_in_dim3A_523 {strides = array<i32>} : memref<512x64xf32, #tpu.memory_space<vmem>>, vector<512x64xf32>,
      %broadcast_in_dim3A_527 = arith.constant 0.000000e+00 : f32
      %broadcast_in_dim3A_528 = vector.broadcast %broadcast_in_dim3A_527 : f32 to vector<512x64xf32>
      %swap3A_529 = arith.constant 0 : index
      %swap3A_530 = arith.constant 0 : index
      %swap3A_531 = vector.load %arg13[%swap3A_529, %swap3A_530] : memref<512x64xf32, #tpu.memory_space<vmem>>, vector<512x64xf32>
      tpu.vector_store %arg13[%swap3A_529, %swap3A_530], %broadcast_in_dim3A_528 {strides = array<i32>} : memref<512x64xf32, #tpu.memory_space<vmem>>, vector<512x64xf32>,
    } else {
    }
    %get3A_498 = arith.constant 0 : index
    %get3A_499 = arith.constant 0 : index
    %get3A_500 = vector.load %arg4[%get3A_498, %get3A_499] : memref<512x64xf32, #tpu.memory_space<vmem>>, vector<512x64xf32>
    %get3A_501 = arith.constant 0 : index
    %get3A_502 = arith.constant 0 : index
    %get3A_503 = vector.load %arg12[%get3A_501, %get3A_502] : memref<512x64xf32, #tpu.memory_space<vmem>>, vector<512x64xf32>
    %dot_general3A = arith.constant dense<0.000000e+00> : vector<512x64xf32>
    %dot_general3A_504 = tpu.matmul %get3A_1, %get3A_500, %dot_general3A {dimension_numbers = #tpu.dot_dimension_numbers<[1], [0], [0], [1], [0, 0, 1, 1], [], []>, transpose_lhs_hint = false} : vector<512x512xf32>, vector<512x64xf32>, vector<512x64xf32> -> vector<512x64xf32>
    %add3A_505 = arith.addf %get3A_503, %dot_general3A_504 : vector<512x64xf32>
    %swap3A_506 = arith.constant 0 : index
    %swap3A_507 = arith.constant 0 : index
    %swap3A_508 = vector.load %arg12[%swap3A_506, %swap3A_507] : memref<512x64xf32, #tpu.memory_space<vmem>>, vector<512x64xf32>
    tpu.vector_store %arg12[%swap3A_506, %swap3A_507], %add3A_505 {strides = array<i32>} : memref<512x64xf32, #tpu.memory_space<vmem>>, vector<512x64xf32>,
    %get3A_509 = arith.constant 0 : index
    %get3A_510 = arith.constant 0 : index
    %get3A_511 = vector.load %arg13[%get3A_509, %get3A_510] : memref<512x64xf32, #tpu.memory_space<vmem>>, vector<512x64xf32>
    %dot_general3A_512 = arith.constant dense<0.000000e+00> : vector<512x64xf32>
    %dot_general3A_513 = tpu.matmul %get3A_4, %get3A_500, %dot_general3A_512 {dimension_numbers = #tpu.dot_dimension_numbers<[1], [0], [0], [1], [0, 0, 1, 1], [], []>, transpose_lhs_hint = false} : vector<512x512xf32>, vector<512x64xf32>, vector<512x64xf32> -> vector<512x64xf32>
    %add3A_514 = arith.addf %get3A_511, %dot_general3A_513 : vector<512x64xf32>
    %swap3A_515 = arith.constant 0 : index
    %swap3A_516 = arith.constant 0 : index
    %swap3A_517 = vector.load %arg13[%swap3A_515, %swap3A_516] : memref<512x64xf32, #tpu.memory_space<vmem>>, vector<512x64xf32>
    tpu.vector_store %arg13[%swap3A_515, %swap3A_516], %add3A_514 {strides = array<i32>} : memref<512x64xf32, #tpu.memory_space<vmem>>, vector<512x64xf32>,
    %eq3A_518 = arith.constant 7 : i32
    %eq3A_519 = arith.cmpi eq, %arg1, %eq3A_518 : i32
    %convert_element_type3A_520 = arith.extui %eq3A_519 : i1 to i32
    %cond3A_521 = arith.constant 0 : i32
    %cond3A_522 = arith.cmpi ne, %convert_element_type3A_520, %cond3A_521 : i32
    scf.if %cond3A_522 {
      %get3A_523 = arith.constant 0 : index
      %get3A_524 = arith.constant 0 : index
      %get3A_525 = vector.load %arg5[%get3A_523, %get3A_524] : memref<512x64xf32, #tpu.memory_space<vmem>>, vector<512x64xf32>
      %get3A_526 = arith.constant 0 : index
      %get3A_527 = arith.constant 0 : index
      %get3A_528 = vector.load %arg12[%get3A_526, %get3A_527] : memref<512x64xf32, #tpu.memory_space<vmem>>, vector<512x64xf32>
      %add3A_529 = arith.addf %get3A_528, %get3A_525 : vector<512x64xf32>
      %get3A_530 = arith.constant 0 : index
      %get3A_531 = arith.constant 0 : index
      %get3A_532 = vector.load %arg13[%get3A_530, %get3A_531] : memref<512x64xf32, #tpu.memory_space<vmem>>, vector<512x64xf32>
      %add3A_533 = arith.addf %get3A_532, %get3A_525 : vector<512x64xf32>
      %get3A_534 = arith.constant 0 : index
      %get3A_535 = arith.constant 0 : index
      %get3A_536 = vector.load %arg6[%get3A_534, %get3A_535] : memref<64x64xf32, #tpu.memory_space<vmem>>, vector<64x64xf32>
      %dot_general3A_537 = arith.constant dense<0.000000e+00> : vector<512x64xf32>
      %dot_general3A_538 = tpu.matmul %add3A_529, %get3A_536, %dot_general3A_537 {dimension_numbers = #tpu.dot_dimension_numbers<[1], [0], [0], [1], [0, 0, 1, 1], [], []>, transpose_lhs_hint = false} : vector<512x64xf32>, vector<64x64xf32>, vector<512x64xf32> -> vector<512x64xf32>
      %get3A_539 = arith.constant 0 : index
      %get3A_540 = arith.constant 0 : index
      %get3A_541 = vector.load %arg7[%get3A_539, %get3A_540] : memref<64x64xf32, #tpu.memory_space<vmem>>, vector<64x64xf32>
      %dot_general3A_542 = arith.constant dense<0.000000e+00> : vector<512x64xf32>
      %dot_general3A_543 = tpu.matmul %add3A_533, %get3A_541, %dot_general3A_542 {dimension_numbers = #tpu.dot_dimension_numbers<[1], [0], [0], [1], [0, 0, 1, 1], [], []>, transpose_lhs_hint = false} : vector<512x64xf32>, vector<64x64xf32>, vector<512x64xf32> -> vector<512x64xf32>
      %add3A_544 = arith.addf %dot_general3A_538, %dot_general3A_543 : vector<512x64xf32>
      %get3A_545 = arith.constant 0 : index
      %get3A_546 = arith.constant 0 : index
      %get3A_547 = vector.load %arg8[%get3A_545, %get3A_546] : memref<1x64xf32, #tpu.memory_space<vmem>>, vector<1x64xf32>
      %add3A_548 = vector.broadcast %get3A_547 : vector<1x64xf32> to vector<512x64xf32>
      %add3A_549 = arith.addf %add3A_544, %add3A_548 : vector<512x64xf32>
      %get3A_550 = arith.constant 0 : index
      %get3A_551 = arith.constant 0 : index
      %get3A_552 = vector.load %arg9[%get3A_550, %get3A_551] : memref<1x64xf32, #tpu.memory_space<vmem>>, vector<1x64xf32>
      %add3A_553 = vector.broadcast %get3A_552 : vector<1x64xf32> to vector<512x64xf32>
      %add3A_554 = arith.addf %add3A_549, %add3A_553 : vector<512x64xf32>
      %max3A = arith.constant 0.000000e+00 : f32
      %max3A_555 = vector.broadcast %max3A : f32 to vector<512x64xf32>
      %max3A_556 = arith.maximumf %add3A_554, %max3A_555 : vector<512x64xf32>
      %swap3A_557 = arith.constant 0 : index
      %swap3A_558 = arith.constant 0 : index
      %swap3A_559 = vector.load %arg11[%swap3A_557, %swap3A_558] : memref<512x64xf32, #tpu.memory_space<vmem>>, vector<512x64xf32>
      tpu.vector_store %arg11[%swap3A_557, %swap3A_558], %max3A_556 {strides = array<i32>} : memref<512x64xf32, #tpu.memory_space<vmem>>, vector<512x64xf32>,
    } else {
    }
    return
  }
  func.func @transform_0(%arg0: i32, %arg1: i32) -> (i32, i32) {
    %c0_i32 = arith.constant 0 : i32
    return %arg0, %arg1 : i32, i32
  }
  func.func @transform_1(%arg0: i32, %arg1: i32) -> (i32, i32) {
    %c0_i32 = arith.constant 0 : i32
    return %arg0, %arg1 : i32, i32
  }
  func.func @transform_2(%arg0: i32, %arg1: i32) -> (i32, i32) {
    %c0_i32 = arith.constant 0 : i32
    %c0_i32_0 = arith.constant 0 : i32
    return %arg1, %c0_i32 : i32, i32
  }
  func.func @transform_3(%arg0: i32, %arg1: i32) -> (i32, i32) {
    %c0_i32 = arith.constant 0 : i32
    %c0_i32_0 = arith.constant 0 : i32
    return %arg0, %c0_i32 : i32, i32
  }
  func.func @transform_4(%arg0: i32, %arg1: i32) -> (i32, i32) {
    %c0_i32 = arith.constant 0 : i32
    %c0_i32_0 = arith.constant 0 : i32
    %c0_i32_1 = arith.constant 0 : i32
    return %c0_i32, %c0_i32_0 : i32, i32
  }
  func.func @transform_5(%arg0: i32, %arg1: i32) -> (i32, i32) {
    %c0_i32 = arith.constant 0 : i32
    %c0_i32_0 = arith.constant 0 : i32
    %c0_i32_1 = arith.constant 0 : i32
    return %c0_i32, %c0_i32_0 : i32, i32
  }
  func.func @transform_6(%arg0: i32, %arg1: i32) -> (i32, i32) {
    %c0_i32 = arith.constant 0 : i32
    %c0_i32_0 = arith.constant 0 : i32
    %c0_i32_1 = arith.constant 0 : i32
    return %c0_i32, %c0_i32_0 : i32, i32
  }
  func.func @transform_7(%arg0: i32, %arg1: i32) -> (i32, i32) {
    %c0_i32 = arith.constant 0 : i32
    %c0_i32_0 = arith.constant 0 : i32
    %c0_i32_1 = arith.constant 0 : i32
    return %c0_i32, %c0_i32_0 : i32, i32
  }
  func.func @transform_8(%arg0: i32, %arg1: i32) -> (i32, i32) {
    %c0_i32 = arith.constant 0 : i32
    return %arg0, %arg1 : i32, i32
  }
  func.func @transform_9(%arg0: i32, %arg1: i32) -> (i32, i32) {
    %c0_i32 = arith.constant 0 : i32
    %c0_i32_0 = arith.constant 0 : i32
    return %arg0, %c0_i32 : i32, i32
  }
}

</mosaic_0001>

<sc_bundles>
// kernel: sparse-core-data-format-call.cloned.1.call-start
scs
called_computation_lowered:
.L_overlay_start_0:
0x0: {  	s2 =	sld [smem:$0x3FD9]  }
0x1: {  	s3 =	sld [smem:$0x3FFE];
	_ =	sdelay $0x1  }
0x2: {  	s1 =	srdreg.scid  }
0x3: {  	s0 =	sand.u32 $0x1, s1  }
0x4: {  	s15 =	sshll.u32 s0, $0xA;
	s2 =	sadd.s32 s3, s2  }
0x5: {  	s2 =	sadd.s32 s2, s15  }
0x6: {  	[smem:$0x3FBF] =	sst s2  }
0x7: {  	_ = 	snop  }
0x8: {  	s2 =	sld [smem:$0x3FD0];
	_ =	sdelay $0x2  }
0x9: {  	s16 =	simm.s32 $0xA;
	s4 =	simm.s32 $0x10  }
0xa: {  	[smem:s4], [sflag:s16] =	dma.local [hbm:s2], $0x1  }
0xb: {  	_ =	swait.eq [sflag:s16], $0x1  }
0xc: {  	[sflag:s16] =	ssyncset.done $0x0  }
0xd: {  	[sflag:s16] =	ssyncadd.s32 $0xFFFFFFFF  }
0xe: {  	s17 =	sld [smem:$0x11];
	(tm) =	ssettm $0x1  }
0xf: {  	s18 =	sld [smem:$0x3FFB];
	_ =	sdelay $0x3  }
0x10: {  	_ =	strace s18  }
0x11: {  	s3 =	sld [smem:$0x3FFC];
	_ =	sdelay $0x3  }
0x12: {  	_ =	strace s3  }
0x13: {  	s3 =	sld [smem:$0x3FFD];
	_ =	sdelay $0x3  }
0x14: {  	_ =	strace s3  }
0x15: {  	_ =	strace $0x8FFFFFFF  }
0x16: {  	s19 =	sld [smem:$0x3FDB];
	_ =	sdelay $0x1  }
0x17: {  	s20 =	simm.s32 $_scs_section_size  }
0x18: {  	s5 =	simm.s32 $_size__tile_overlayer_lowered;
	s6 =	simm.s32 $_tile_overlayer_lowered  }
0x19: {  	s23 =	simm.s32 $0x1BFF;
	s22 =	sshll.u32 s6, $0x1;
	s3 =	sadd.s32 s20, s19  }
0x1a: {  	s7 =	simm.s32 $0x0;
	s21 =	sshll.u32 s5, $0x1;
	s5 =	sadd.s32 s22, s3  }
0x1b: {  	[timem:s7], [sflag:s23] =	dma.local [hbm:s5], s21  }
0x1c: {  	_ =	swait.ge [sflag:s23], s21  }
0x1d: {  	s4 =	ssub.s32 $0x0, s21;
	[sflag:s23] =	ssyncset.done $0x0  }
0x1e: {  	[sflag:s23] =	ssyncadd.s32 s4;
	_ =	sdelay $0x1  }
0x1f: {  	s24 =	simm.s32 $0x1B8B  }
0x20: {  	_ =	swait.ge [sflag:s24], $0x1  }
0x21: {  	[sflag:s24] =	ssyncset.done $0x0  }
0x22: {  	s26 =	simm.s32 $0x1B8E;
	s25 =	sld [smem:$0x3FFE];
	[sflag:s24] =	ssyncadd.s32 $0xFFFFFFFF  }
0x23: {  	s27 =	simm.s32 $execute0_lowered;
	[smem:$0x3FD2] =	sst s26  }
0x24: {  	s5 =	sshll.u32 s27, $0x1;
	_ =	strace $0x80000046;
	[dreg:$0x1] =	wrdreg $0xFFFFFFFF  }
0x25: {  	s28 =	simm.s32 $_size_execute0_lowered;
	s3 =	sadd.s32 s3, s5;
	[dreg:$0x0] =	wrdreg $0x0  }
0x26: {  	s5 =	sshll.u32 s28, $0x1;
	[dreg:$0x2] =	wrdreg s3  }
0x27: {  	[dreg:$0x3] =	wrdreg s5  }
0x28: {  	[dreg:$0x4] =	wrdreg $0xC0  }
0x29: {  	_ =	task [dreg:s7], $0x5FFFF  }
0x2a: {  	[dreg:$0x1] =	wrdreg $0xFFFFFFFF  }
0x2b: {  	[dreg:$0x0] =	wrdreg $0x60  }
0x2c: {  	[dreg:$0x2] =	wrdreg s25  }
0x2d: {  	[dreg:$0x3] =	wrdreg s17  }
0x2e: {  	[dreg:$0x4] =	wrdreg $0x9  }
0x2f: {  	_ =	task.clear_ibuf [dreg:s7], $0x5FFFF;
	_ =	strace $0x90000046  }
0x30: {  	s29 =	simm.s32 $0x9;
	_ =	strace $0x80000048  }
0x31: {  	_ =	swait.ge [sflag:s29], $0x1  }
0x32: {  	[sflag:s29] =	ssyncadd.s32 $0xFFFFFFFF  }
0x33: {  	_ =	strace $0x90000048  }
0x34: {  	_ =	sfence  }
0x35: {  	s30 =	sld [smem:$0x0];
	_ =	sdelay $0x2  }
0x36: {  	s31 =	sshll.u32 s1, $0xD;
	s1 =	sshrl.u32 s1, $0x2  }
0x37: {  	s3 =	sand.u32 $0x4000, s31;
	s1 =	sadd.s32 s1, s30  }
0x38: {  	s0 =	sor.u32 s3, s0;
	s1 =	sshll.u32 s1, $0x11  }
0x39: {  	s0 =	sor.u32 s1, s0  }
0x3a: {  	s0 =	sadd.s32 $0x8F2B, s0  }
0x3b: {  	[sflag:s0] =	ssyncadd.remote.s32 $0x1  }
0x3c: {  	_ =	sfence.sel $0xFFFF  }
0x3d: {  	[dreg:$0x0] =	wrdreg $0xFFFFFFFF;
	(pc) =	sbr.abs _section_cstart, $3  }
0x3e: {  	[dreg:$0x1] =	wrdreg $0xFFFFFFFF  }
0x3f: {  	_ =	task.clear_ibuf [dreg:s7], $0x2FFFF;
	_ =	strace $0x9FFFFFFF  }
0x40: {  	(tm) =	ssettm $0x7FFFFFFF  }
0x41: {  	_ =	shalt  }
tec
execute0_lowered:
.L_overlay_start_1:
0x0: {  	(tag) =	ssettag $0x1  }
0x1: {  	s0 =	srdreg.scid;
	s5 =	rddreg [dreg:$0x0]  }
0x2: {  	s3 =	rddreg [dreg:$0x1];
	s1 =	sshll.u32 s0, $0x4  }
0x3: {  	s7 =	simm.s32 $0x1;
	s0 =	stileid.u32;
	s1 =	sand.u32 $0x10, s1  }
0x4: {  	s8 =	simm.s32 $0x2;
	s13 =	simm.s32 $0x0;
	s1 =	sor.u32 s0, s1  }
0x5: {  	s15 =	simm.s32 $0x0;
	s14 =	simm.s32 $0x0;
	s2 =	sshll.u32 s1, $0x7  }
0x6: {  	s9 =	simm.s32 $0x0;
	s10 =	simm.s32 $0x0;
	s6 =	ssub.s32 $0x1000, s2  }
0x7: {  	s12 =	simm.s32 $0x0;
	s5 =	sadd.s32 $0x411600, s5;
	s4 =	sand.u32 $0xF80, s6  }
.Ltmp0:
0x8: {  	s1 =	rddreg [dreg:$0x2];
	p0 =	sne.s32 s4, $0x0;
	(pc) =	sbr.rel .LBB1_1-.Ltmp0, $4  }
0x9: {  	_ =	strace $0x80000047;
	s6 =	sshrl.u32 s6, $0xC;
	s7 =	simm.s32 @!p0 $0x0  }
0xa: {  	s11 =	smov.u32 s2;
	s4 =	simm.s32 $0x1;
	s6 =	sadd.s32 s7, s6  }
0xb: {  	[sflag:s4] =	ssyncpa.u1 $0x0;
	p0 =	por $0x0, $0x0;
	s6 =	sshll.u32 s6, $0x6  }
0xc: {  	[sflag:s8] =	ssyncpa.u1 $0x0;
	s8 =	simm.s32 $0x2000;
	s7 =	sor.u32 $0x1, s6  }
.LBB1_4:
0xd: {  	v5 =	vld [tilespmem:s19+$0xFFFFFFD0];
	[tilespmem:s18+$0x2040 ss:$0x81] =	vst.msk $0xffff, v1  }
0xe: {  	v58 =	vld [tilespmem:s19+$0xFFFFFFE0];
	[tilespmem:s18+$0x2850 ss:$0x81] =	vst.msk $0xffff, v2  }
0xf: {  	s20 =	sshra.s32 s20, $0x2;
	v59 =	vld [tilespmem:s19+$0xFFFFFFF0];
	[tilespmem:s18+$0x3060 ss:$0x81] =	vst.msk $0xffff, v3  }
0x10: {  	v60 =	vld [tilespmem:s19+$0x0];
	[tilespmem:s18+$0x0 ss:$0x81] =	vst.msk $0xffff, v0;
	s17 =	sadd.s32 s20, s17  }
0x11: {  	v61 =	vld [tilespmem:s19+$0x10];
	[tilespmem:s17+$0x3870 ss:$0x81] =	vst.msk $0xffff, v4  }
0x12: {  	v62 =	vld [tilespmem:s19+$0x20];
	[tilespmem:s17+$0x810 ss:$0x81] =	vst.msk $0xffff, v5  }
0x13: {  	s27 =	sshll.u32 s14, $0x1;
	v63 =	vld [tilespmem:s19+$0xFFFFFFC0];
	s28 =	sand.u32 $0x78, s14;
	s15 =	sshll.u32 s15, $0x7;
	[tilespmem:s17+$0x1020 ss:$0x81] =	vst.msk $0xffff, v58  }
0x14: {  	s29 =	sshrl.u32 s14, $0x2;
	s13 =	sshll.u32 s13, $0xA;
	s18 =	sand.u32 $0xF00, s27;
	[tilespmem:s17+$0x1830 ss:$0x81] =	vst.msk $0xffff, v59  }
0x15: {  	s15 =	sand.u32 $0x80, s15;
	s30 =	sand.u32 $0x200, s29;
	s18 =	sor.u32 s28, s18;
	[tilespmem:s17+$0x2040 ss:$0x81] =	vst.msk $0xffff, v60  }
0x16: {  	s31 =	sand.u32 $0x7, s14;
	s15 =	sor.u32 s15, s18;
	s18 =	sadd.s32 s3, s30;
	[tilespmem:s17+$0x2850 ss:$0x81] =	vst.msk $0xffff, v61  }
0x17: {  	s14 =	sshll.u32 s31, $0x12;
	s15 =	sshrl.u32 s15, $0x3;
	s13 =	sadd.s32 s13, s18;
	[tilespmem:s17+$0x3060 ss:$0x81] =	vst.msk $0xffff, v62  }
0x18: {  	s14 =	sor.u32 $0x80, s14;
	[tilespmem:s17+$0x0 ss:$0x81] =	vst.msk $0xffff, v63;
	s13 =	sadd.s32 s15, s13  }
0x19: {  	[hbm4b:s13+s14] =	stream.strided.scatter [tilespmem:s16], [sflag:$0x2], $0x4000, s8, s14, $0x20;
	[tilespmem:$0x10100] =	vst v63  }
.LBB1_5:
0x1a: {  	s16 =	sadd.s32 $0x80, s9  }
0x1b: {  	s13 =	simm.s32 $0x1;
	p2 =	sgt.s32 s16, $0xFFF  }
0x1c: {  	s13 =	simm.s32 @!p2 $0x0  }
0x1d: {  	s17 =	sadd.s32 s13, s10  }
0x1e: {  	s19 =	smov.u32 s11;
	s13 =	sadd.s32 $0x1000, s11;
	p3 =	sgt.s32 s17, $0x1  }
0x1f: {  	s19 =	smov.u32 @p3 s13  }
0x20: {  	p1 =	slt.u32 s12, $0x2;
	s16 =	simm.s32 @p2 $0x0;
	p2 =	sgt.s32 s19, $0xFFF  }
0x21: {  	s18 =	simm.s32 @!p1 $0x2;
	s19 =	smov.u32 @p2 s2;
	p2 =	sne.s32 s12, s7  }
.Ltmp1:
0x22: {  	_ =	swait.ge @!p1 [sflag:s18], $0x4000;
	(pc) =	sbr.rel @!p2 .LBB1_6-.Ltmp1, $4  }
0x23: {  	s15 =	smov.u32 s10;
	[sflag:s18] =	ssyncset.done @!p1 $0x0  }
0x24: {  	s14 =	smov.u32 s11;
	p0 =	por !p0, !p0;
	[sflag:s18] =	ssyncadd.s32 @!p1 $0xFFFFC000  }
0x25: {  	s17 =	simm.s32 @p3 $0x0;
	s13 =	smov.u32 s9;
	s9 =	smov.u32 s16  }
0x26: {  	s10 =	smov.u32 s17;
	s12 =	sadd.s32 $0x1, s12;
	s11 =	smov.u32 s19  }
.LBB1_1:
0x27: {  	p1 =	sge.u32 s12, s6  }
0x28: {  	s16 =	sshll.u32 @!p1 s10, $0x7  }
0x29: {  	s17 =	sand.u32 @!p1 $0x78, s9;
	s18 =	sshll.u32 @!p1 s9, $0x1;
	s16 =	sand.u32 @!p1 $0x80, s16  }
0x2a: {  	s31 =	sadd.s32 $0xFFFFFFFF, s12;
	s18 =	sand.u32 @!p1 $0xF00, s18;
	s16 =	sor.u32 @!p1 s16, s17  }
0x2b: {  	s17 =	sshll.u32 @!p1 s11, $0xA;
	s16 =	sor.u32 @!p1 s18, s16;
	s18 =	sshrl.u32 @!p1 s9, $0x2  }
0x2c: {  	s19 =	sxor.u32 @!p1 $0xFFFFFFFF, s12;
	s17 =	sadd.s32 @!p1 s5, s17;
	s18 =	sand.u32 @!p1 $0x200, s18  }
0x2d: {  	s19 =	sshll.u32 @!p1 s19, $0xE;
	s17 =	sadd.s32 @!p1 s18, s17;
	s18 =	sand.u32 @!p1 $0x7, s9  }
0x2e: {  	s19 =	sand.u32 @!p1 $0x4000, s19;
	s16 =	sshrl.u32 @!p1 s16, $0x3;
	s18 =	sshll.u32 @!p1 s18, $0x12  }
0x2f: {  	s16 =	sadd.s32 @!p1 s16, s17;
	s17 =	sor.u32 @!p1 $0x80, s18;
	s18 =	simm.s32 @!p1 $0x2000  }
0x30: {  	[tilespmem:s19], [sflag:$0x1] =	stream.strided.gather @!p1 [hbm4b:s16+s17], $0x4000, s18, s17, $0x38;
	[tilespmem:$0x10100] =	vst v63  }
0x31: {  	p1 =	sge.u32 s31, s6  }
.Ltmp2:
0x32: {  	_ = 	snop;
	(pc) =	sbr.rel @p1 .LBB1_5-.Ltmp2, $1  }
0x33: {  	_ =	sdelay $0x3  }
0x34: {  	s16 =	simm.s32 $0x1  }
0x35: {  	_ =	swait.ge [sflag:s4], $0x4000;
	s16 =	simm.s32 @!p0 $0x0  }
0x36: {  	[sflag:s4] =	ssyncset.done $0x0;
	s17 =	sshll.u32 s16, $0xE  }
0x37: {  	[sflag:s4] =	ssyncadd.s32 $0xFFFFC000;
	s19 =	sor.u32 $0x40, s17  }
0x38: {  	s16 =	smul.u32 $0x10200, s16;
	v0 =	vld [tilespmem:s19+$0x30]  }
0x39: {  	v3 =	vld [tilespmem:s19+$0xFFFFFFD0]  }
0x3a: {  	s16 =	sshrl.u32 s16, $0x2;
	v4 =	vld [tilespmem:s19+$0xFFFFFFE0]  }
0x3b: {  	v5 =	vld [tilespmem:s19+$0xFFFFFFF0];
	s17 =	sor.u32 $0x8000, s16  }
0x3c: {  	s31 =	sand.u32 $0x1, s12;
	v1 =	vld [tilespmem:s19+$0x0];
	s18 =	sadd.s32 $0x0, s17  }
0x3d: {  	v2 =	vld [tilespmem:s19+$0x10];
	s16 =	smul.u32 $0x10200, s31;
	[tilespmem:s18+$0x3870 ss:$0x81] =	vst.msk $0xffff, v0  }
0x3e: {  	[tilespmem:s18+$0x810 ss:$0x81] =	vst.msk $0xffff, v3;
	v3 =	vld [tilespmem:s19+$0x20]  }
0x3f: {  	s16 =	sshrl.u32 s16, $0x2;
	v0 =	vld [tilespmem:s19+$0xFFFFFFC0];
	[tilespmem:s18+$0x1020 ss:$0x81] =	vst.msk $0xffff, v4;
	s19 =	sadd.s32 $0x80, s19  }
0x40: {  	s20 =	simm.s32 $0x4;
	s21 =	simm.s32 $0x8;
	s16 =	sor.u32 $0x8000, s16;
	[tilespmem:s18+$0x1830 ss:$0x81] =	vst.msk $0xffff, v5;
	v4 =	vld [tilespmem:s19+$0x30]  }
.LBB1_3:
0x41: {  	p1 =	sne.s32 s21, $0x1FC;
	v5 =	vld [tilespmem:s19+$0xFFFFFFD0];
	[tilespmem:s18+$0x2040 ss:$0x81] =	vst.msk $0xffff, v1  }
0x42: {  	v6 =	vld [tilespmem:s19+$0xFFFFFFE0];
	[tilespmem:s18+$0x2850 ss:$0x81] =	vst.msk $0xffff, v2  }
0x43: {  	s22 =	sshra.s32 s20, $0x2;
	s20 =	smov.u32 s21;
	v7 =	vld [tilespmem:s19+$0xFFFFFFF0];
	[tilespmem:s18+$0x3060 ss:$0x81] =	vst.msk $0xffff, v3  }
.Ltmp3:
0x44: {  	v1 =	vld [tilespmem:s19+$0x0];
	[tilespmem:s18+$0x0 ss:$0x81] =	vst.msk $0xffff, v0;
	s18 =	sadd.s32 s22, s17;
	(pc) =	sbr.rel @p1 .LBB1_3-.Ltmp3, $4  }
0x45: {  	v2 =	vld [tilespmem:s19+$0x10];
	[tilespmem:s18+$0x3870 ss:$0x81] =	vst.msk $0xffff, v4  }
0x46: {  	[tilespmem:s18+$0x810 ss:$0x81] =	vst.msk $0xffff, v5;
	v3 =	vld [tilespmem:s19+$0x20]  }
0x47: {  	v0 =	vld [tilespmem:s19+$0xFFFFFFC0];
	[tilespmem:s18+$0x1020 ss:$0x81] =	vst.msk $0xffff, v6;
	s19 =	sadd.s32 $0x80, s19  }
0x48: {  	s21 =	sadd.s32 $0x4, s21;
	v4 =	vld [tilespmem:s19+$0x30];
	[tilespmem:s18+$0x1830 ss:$0x81] =	vst.msk $0xffff, v7  }
.Ltmp4:
0x49: {  	_ = 	snop;
	(pc) =	sbr.rel .LBB1_4-.Ltmp4, $1  }
0x4a: {  	_ =	sdelay $0x3  }
.LBB1_6:
0x4b: {  	_ =	sfence.sel $0x180000  }
0x4c: {  	s2 =	simm.s32 $0x1;
	[bflag:$0x0] =	sbarrier.arrive $0xFFFF  }
0x4d: {  	s31 =	simm.s32 $0x2;
	[sflag:s2] =	ssyncpa.u1 $0x1  }
0x4e: {  	[sflag:s31] =	ssyncpa.u1 $0x1  }
0x4f: {  	p0 =	sne.s32 s0, $0x0;
	_ =	strace $0x90000047  }
0x50: {  	s0 =	sadd.s32 @!p0 $0x100000, s1;
	[bflag:$0x2] =	sbarrier.arrive $0xFFFF  }
0x51: {  	[sflag:s0] =	ssyncadd.tile.s32 @!p0 $0x1;
	_ =	shalt  }
.Lfunc_end1:
_tile_overlayer_lowered:
.L_overlay_start_2:
0x52: {  	(tag) =	ssettag $0x2  }
0x53: {  	s0 =	rddreg [dreg:$0x0];
	s2 =	stileid.u32  }
0x54: {  	s1 =	rddreg [dreg:$0x1];
	p0 =	sne.s32 s2, $0x0  }
0x55: {  	s3 =	rddreg [dreg:$0x2];
	[bflag:$0x3] =	sbarrier.arrive $0xFFFF;
	s2 =	simm.s32 @!p0 $0x1C01  }
0x56: {  	[timem:s3], [sflag:s2] =	dma.local @!p0 [hbm:s0], s1  }
0x57: {  	s0 =	simm.s32 @!p0 $0x1  }
0x58: {  	_ =	swait.ge @!p0 [sflag:s0], s1  }
0x59: {  	s1 =	ssub.s32 @!p0 $0x0, s1;
	[sflag:s0] =	ssyncset.done @!p0 $0x0  }
0x5a: {  	[sflag:s0] =	ssyncadd.s32 @!p0 s1  }
0x5b: {  	[bflag:$0x3] =	sbarrier.arrive $0xFFFF  }
0x5c: {  	_ =	shalt  }

</sc_bundles>
